<compile_context>
chip_gen: v7x
topology: tpu7x:2x2x1
jax: 0.10.2.dev20260603
libtpu: 0.0.44.dev20260713+nightly
codegen_flags: <defaults>
</compile_context>

<pallas_src>
import functools

import jax
import jax.numpy as jnp
from jax import lax
from jax.experimental import pallas as pl
from jax.experimental.pallas import tpu as pltpu
from jax.experimental.pallas import tpu_sc as plsc

_NSC = 2
_NSUB = 16
_NW = _NSC * _NSUB
_MAXCW = 128
_BLK = 2048
_ACC_ALIGN = 2048


@functools.lru_cache(maxsize=None)
def _degree_call_tiled(n_pad: int, tiles: int):
    slc = n_pad // _NSUB
    base_ch = tiles // _NW
    extra = tiles - base_ch * _NW
    ch_max = base_ch + (1 if extra else 0)
    mesh = plsc.VectorSubcoreMesh(core_axis_name="c", subcore_axis_name="s")

    @functools.partial(
        pl.kernel,
        out_type=jax.ShapeDtypeStruct((_NSC, n_pad), jnp.float32),
        mesh=mesh,
        scratch_types=[
            pltpu.VMEM((ch_max, _MAXCW), jnp.int32),
            pltpu.VMEM((_MAXCW,), jnp.float32),
            pltpu.VMEM((slc,), jnp.float32),
            pltpu.VMEM_SHARED((n_pad,), jnp.float32),
            pltpu.SemaphoreType.DMA,
            pltpu.SemaphoreType.DMA,
        ],
        compiler_params=pltpu.CompilerParams(use_tc_tiling_on_sc=True),
    )
    def deg_kernel(ei_hbm, out_hbm, idx_v, ones_v, zeros_v, acc_sh, sem_i, sem_s):
        c = lax.axis_index("c")
        s = lax.axis_index("s")
        w = c * _NSUB + s
        my_ch = base_ch + jnp.where(w < extra, 1, 0)

        def fire_loads(j, carry):
            t = j * _NW + w
            pltpu.async_copy(
                ei_hbm.at[1, pl.ds(t * _MAXCW, _MAXCW)], idx_v.at[j], sem_i
            )
            return carry

        lax.fori_loop(0, my_ch, fire_loads, 0)

        def fill_ones(j, carry):
            ones_v[pl.ds(j * 16, 16)] = jnp.full((16,), 1.0, jnp.float32)
            return carry

        lax.fori_loop(0, _MAXCW // 16, fill_ones, 0)

        def fill_zeros(j, carry):
            zeros_v[pl.ds(j * 16, 16)] = jnp.zeros((16,), jnp.float32)
            return carry

        lax.fori_loop(0, slc // 16, fill_zeros, 0)

        pltpu.sync_copy(zeros_v, acc_sh.at[pl.ds(s * slc, slc)])

        def drain_loads(j, carry):
            pltpu.make_async_copy(
                ei_hbm.at[1, pl.ds(0, _MAXCW)], idx_v.at[0], sem_i
            ).wait()
            return carry

        lax.fori_loop(0, my_ch, drain_loads, 0)
        plsc.subcore_barrier()

        def fire(j, carry):
            pltpu.async_copy(ones_v, acc_sh.at[idx_v.at[j]], sem_s, add=True)
            return carry

        lax.fori_loop(0, my_ch, fire, 0)

        def drain(j, carry):
            pltpu.make_async_copy(ones_v, acc_sh.at[idx_v.at[0]], sem_s).wait()
            return carry

        lax.fori_loop(0, my_ch, drain, 0)
        plsc.subcore_barrier()

        pltpu.sync_copy(
            acc_sh.at[pl.ds(s * slc, slc)],
            out_hbm.at[c, pl.ds(s * slc, slc)],
        )

    return deg_kernel


@functools.lru_cache(maxsize=None)
def _degree_call(n_pad: int, ch: int, cw: int):
    slc = n_pad // _NSUB
    mesh = plsc.VectorSubcoreMesh(core_axis_name="c", subcore_axis_name="s")

    @functools.partial(
        pl.kernel,
        out_type=jax.ShapeDtypeStruct((_NSC, n_pad), jnp.float32),
        mesh=mesh,
        scratch_types=[
            pltpu.VMEM((ch, cw), jnp.int32),
            pltpu.VMEM((cw,), jnp.float32),
            pltpu.VMEM((slc,), jnp.float32),
            pltpu.VMEM_SHARED((n_pad,), jnp.float32),
            pltpu.SemaphoreType.DMA,
        ],
    )
    def deg_kernel(dst_hbm, out_hbm, idx_v, ones_v, zeros_v, acc_sh, sem):
        c = lax.axis_index("c")
        s = lax.axis_index("s")
        w = c * _NSUB + s

        idx_cp = pltpu.async_copy(dst_hbm.at[w], idx_v, sem)

        def fill_ones(j, carry):
            ones_v[pl.ds(j * 16, 16)] = jnp.full((16,), 1.0, jnp.float32)
            return carry

        lax.fori_loop(0, cw // 16, fill_ones, 0)

        def fill_zeros(j, carry):
            zeros_v[pl.ds(j * 16, 16)] = jnp.zeros((16,), jnp.float32)
            return carry

        lax.fori_loop(0, slc // 16, fill_zeros, 0)

        pltpu.sync_copy(zeros_v, acc_sh.at[pl.ds(s * slc, slc)])
        idx_cp.wait()
        plsc.subcore_barrier()

        def fire(j, carry):
            pltpu.async_copy(ones_v, acc_sh.at[idx_v.at[j]], sem, add=True)
            return carry

        lax.fori_loop(0, ch, fire, 0)

        def drain(j, carry):
            pltpu.make_async_copy(ones_v, acc_sh.at[idx_v.at[0]], sem).wait()
            return carry

        lax.fori_loop(0, ch, drain, 0)
        plsc.subcore_barrier()

        pltpu.sync_copy(
            acc_sh.at[pl.ds(s * slc, slc)],
            out_hbm.at[c, pl.ds(s * slc, slc)],
        )

    return deg_kernel


def _matmul_body(x_ref, w0_ref, w1_ref, out_ref):
    cdims = (((1,), (1,)), ((), ()))
    h = jnp.maximum(
        lax.dot_general(
            x_ref[...], w0_ref[...], cdims, preferred_element_type=jnp.float32
        ),
        0.0,
    )
    out_ref[...] = lax.dot_general(
        w1_ref[...], h, cdims, preferred_element_type=jnp.float32
    )


def _mask_body(o_ref, deg_ref, out_ref):
    n = o_ref.shape[1]
    deg = deg_ref[...]
    d = deg[0:1, :n] + deg[1:2, :n]
    ind = (d > 0.0).astype(jnp.float32)
    out_ref[...] = o_ref[...] * ind


def kernel(x, edge_index, W0, A0, W1, A1):
    del A0, A1
    n, in_dim = x.shape
    heads, hid, _ = W0.shape
    ncls = W1.shape[0]
    e = edge_index.shape[1]

    n_pad = -(-n // _ACC_ALIGN) * _ACC_ALIGN
    w0cat = W0.reshape(heads * hid, in_dim)
    o = pl.pallas_call(
        _matmul_body,
        grid=(pl.cdiv(n, _BLK),),
        in_specs=[
            pl.BlockSpec((_BLK, in_dim), lambda i: (i, 0)),
            pl.BlockSpec((heads * hid, in_dim), lambda i: (0, 0)),
            pl.BlockSpec((ncls, heads * hid), lambda i: (0, 0)),
        ],
        out_specs=pl.BlockSpec((ncls, _BLK), lambda i: (0, i)),
        out_shape=jax.ShapeDtypeStruct((ncls, n), jnp.float32),
    )(x, w0cat, W1)

    if e % _MAXCW == 0:
        deg = _degree_call_tiled(n_pad, e // _MAXCW)(edge_index)
    else:
        dst = edge_index[1]
        cw = _MAXCW
        ch = -(-e // (_NW * cw))
        dst3d = jnp.concatenate(
            [dst, jnp.full((_NW * ch * cw - e,), n, jnp.int32)]
        ).reshape(_NW, ch, cw)
        deg = _degree_call(n_pad, ch, cw)(dst3d)

    masked = pl.pallas_call(
        _mask_body,
        out_shape=jax.ShapeDtypeStruct((ncls, n), jnp.float32),
        input_output_aliases={0: 0},
    )(o, deg)
    return jnp.transpose(masked)

# --- scband reference (transcript-rebuilt; emitter-appended) ---
"""Pipeline reference for scband-gat-87617332838818 (READ-ONLY COPY).

The authoritative reference and input builder live on the scoring server;
editing this copy changes nothing except your own understanding.
"""

import jax, jax.numpy as jnp
import numpy as np

N = 10000
E = 320000
IN_DIM = 128
HID = 128
HEADS = 3
NUM_CLASSES = 64


def setup_inputs(seed: int = 0) -> dict:
    key = jax.random.key(seed)
    ks = jax.random.split(key, 6)
    x = jax.random.normal(ks[0], (N, IN_DIM), dtype=jnp.float32)
    edge_index = jax.random.randint(ks[1], (2, E), 0, N, dtype=jnp.int32)
    # layer-0 params: HEADS independent Linear(in_dim -> hid, no bias) and attention Linear(2*hid -> 1, no bias)
    W0 = jax.random.normal(ks[2], (HEADS, HID, IN_DIM), dtype=jnp.float32) * 0.05
    A0 = jax.random.normal(ks[3], (HEADS, 2 * HID), dtype=jnp.float32) * 0.05
    # final layer: single head Linear(heads*hid -> num_classes) and attention Linear(2*num_classes -> 1)
    W1 = jax.random.normal(ks[4], (NUM_CLASSES, HEADS * HID), dtype=jnp.float32) * 0.05
    A1 = jax.random.normal(ks[5], (2 * NUM_CLASSES,), dtype=jnp.float32) * 0.05
    return {"x": x, "edge_index": edge_index, "W0": W0, "A0": A0, "W1": W1, "A1": A1}


def _segment_softmax(a, seg, n):
    # a: [E, 1], seg: [E] (dst node ids); softmax over incoming edges of each dst node
    m = jax.ops.segment_max(a, seg, num_segments=n)
    m = jnp.where(jnp.isfinite(m), m, 0.0)
    e = jnp.exp(a - m[seg])
    s = jax.ops.segment_sum(e, seg, num_segments=n)
    return e / (s[seg] + 1e-16)


def _gat_head(h, src, dst, W, A, n):
    # Faithful to NodeReduceModule per head:
    #   hvv = fc(dst feats per edge); huu = fc(src feats per edge)
    #   a = softmax_over_incoming_edges(leaky_relu(attn(cat(hvv, huu))))
    #   out_v = sum_e a_e * hvv_e   (attention multiplies transformed DST feats, as in original)
    hu = jnp.take(h, src, axis=0)
    hv = jnp.take(h, dst, axis=0)
    hvv = hv @ W.T
    huu = hu @ W.T
    logits = jax.nn.leaky_relu(jnp.concatenate([hvv, huu], axis=1) @ A[:, None], negative_slope=0.01)
    a = _segment_softmax(logits, dst, n)
    return jax.ops.segment_sum(a * hvv, dst, num_segments=n)


def reference(x, edge_index, W0, A0, W1, A1):
    src = edge_index[0]
    dst = edge_index[1]
    n = x.shape[0]
    heads = []
    for i in range(W0.shape[0]):
        out_i = _gat_head(x, src, dst, W0[i], A0[i], n)
        heads.append(jax.nn.relu(out_i))  # activation, no residual on layer 0
    h1 = jnp.concatenate(heads, axis=1)  # aggregator = cat over heads
    # final reduce layer: 1 head, no activation, aggregator = sum over singleton list
    logits = _gat_head(h1, src, dst, W1, A1, n)
    return logits

if __name__ == "__main__":
    import jax
    _d = setup_inputs()
    print(jax.jit(kernel)(*tuple(_d.values())))

</pallas_src>

<mosaic_0001>
#map = affine_map<(d0, d1) -> (0, 0)>
module attributes {stable_mosaic.version = 14 : i64} {
  func.func @deg_kernel(%arg0: i32, %arg1: i32, %arg2: memref<2x320000xi32, #tpu.memory_space<hbm>>, %arg3: memref<2x10240xf32, #tpu.memory_space<hbm>>, %arg4: memref<79x128xi32, #tpu.memory_space<vmem>>, %arg5: memref<128xf32, #tpu.memory_space<vmem>>, %arg6: memref<640xf32, #tpu.memory_space<vmem>>, %arg7: memref<10240xf32, #tpu.memory_space<vmem_shared>>, %arg8: memref<!tpu.dma_semaphore, #tpu.memory_space<semaphore_mem>>, %arg9: memref<!tpu.dma_semaphore, #tpu.memory_space<semaphore_mem>>) attributes {dimension_semantics = [#tpu.dimension_semantics<core_parallel>, #tpu.dimension_semantics<subcore_parallel>], iteration_bounds = array<i64: 2, 16>, scalar_prefetch = 0 : i64, scratch_operands = 6 : i64, tpu.core_type = #tpu.core_type<sc_vector_subcore>, window_params = [{transform_indices = #map}, {transform_indices = #map}]} {
    %mul3A = arith.constant 16 : i32
    %mul3A_0 = arith.muli %arg0, %mul3A : i32
    %add3A = arith.addi %mul3A_0, %arg1 : i32
    %lt3A = arith.constant 4 : i32
    %lt3A_1 = arith.cmpi slt, %add3A, %lt3A : i32
    %jit3A = arith.constant 1 : i32
    %jit3A_2 = arith.constant 0 : i32
    %select_n3A = arith.select %lt3A_1, %jit3A, %jit3A_2 : i32
    %add3A_3 = arith.constant 78 : i32
    %add3A_4 = arith.addi %add3A_3, %select_n3A : i32
    %while3A = arith.constant 0 : i32
    %while3A_5 = arith.constant 0 : i32
    %while3A_6 = arith.subi %add3A_4, %while3A_5 : i32
    %while3A_7 = arith.addi %while3A_5, %while3A_6 : i32
    %while3A_8 = arith.constant 1 : i32
    %while3A_9 = arith.divsi %while3A_6, %while3A_8 : i32
    %while3A_10 = arith.muli %while3A_9, %while3A_8 : i32
    %while3A_11 = arith.addi %while3A_5, %while3A_10 : i32
    %while3A_12 = arith.constant 1 : i32
    scf.for %while3A_62 = %while3A_5 to %while3A_11 step %while3A_12  : i32 {
      %mul3A_63 = arith.constant 32 : i32
      %mul3A_64 = arith.muli %while3A_62, %mul3A_63 : i32
      %add3A_65 = arith.addi %mul3A_64, %add3A : i32
      %mul3A_66 = arith.constant 128 : i32
      %mul3A_67 = arith.muli %add3A_65, %mul3A_66 : i32
      %dma_start3A = arith.constant 1 : i32
      %dma_start3A_68 = arith.constant 0 : i32
      %dma_start3A_69 = tpu.memref_slice %arg4[%while3A_62, %dma_start3A_68] : memref<79x128xi32, #tpu.memory_space<vmem>> -> memref<1x128xi32, #tpu.memory_space<vmem>>
      %dma_start3A_70 = tpu.memref_squeeze %dma_start3A_69 : memref<1x128xi32, #tpu.memory_space<vmem>> -> memref<128xi32, #tpu.memory_space<vmem>>
      %dma_start3A_71 = tpu.memref_slice %arg2[%dma_start3A, %mul3A_67] : memref<2x320000xi32, #tpu.memory_space<hbm>> -> memref<1x128xi32, #tpu.memory_space<hbm>>
      %dma_start3A_72 = tpu.memref_squeeze %dma_start3A_71 : memref<1x128xi32, #tpu.memory_space<hbm>> -> memref<128xi32, #tpu.memory_space<hbm>>
      %dma_start3A_73 = arith.constant 0 : i32
      %dma_start3A_74 = tpu.memref_slice %arg4[%while3A_62, %dma_start3A_73] : memref<79x128xi32, #tpu.memory_space<vmem>> -> memref<1x128xi32, #tpu.memory_space<vmem>>
      %dma_start3A_75 = tpu.memref_squeeze %dma_start3A_74 : memref<1x128xi32, #tpu.memory_space<vmem>> -> memref<128xi32, #tpu.memory_space<vmem>>
      %dma_start3A_76 = tpu.memref_slice %arg2[%dma_start3A, %mul3A_67] : memref<2x320000xi32, #tpu.memory_space<hbm>> -> memref<1x128xi32, #tpu.memory_space<hbm>>
      %dma_start3A_77 = tpu.memref_squeeze %dma_start3A_76 : memref<1x128xi32, #tpu.memory_space<hbm>> -> memref<128xi32, #tpu.memory_space<hbm>>
      tpu.enqueue_dma source(%dma_start3A_77 : memref<128xi32, #tpu.memory_space<hbm>>) target(%dma_start3A_75 : memref<128xi32, #tpu.memory_space<vmem>>) target_semaphore(%arg8 : memref<!tpu.dma_semaphore, #tpu.memory_space<semaphore_mem>>)
    }
    %while3A_13 = arith.constant 1 : i32
    scf.for %while3A_62 = %while3A_11 to %while3A_7 step %while3A_13  : i32 {
      %mul3A_63 = arith.constant 32 : i32
      %mul3A_64 = arith.muli %while3A_62, %mul3A_63 : i32
      %add3A_65 = arith.addi %mul3A_64, %add3A : i32
      %mul3A_66 = arith.constant 128 : i32
      %mul3A_67 = arith.muli %add3A_65, %mul3A_66 : i32
      %dma_start3A = arith.constant 1 : i32
      %dma_start3A_68 = arith.constant 0 : i32
      %dma_start3A_69 = tpu.memref_slice %arg4[%while3A_62, %dma_start3A_68] : memref<79x128xi32, #tpu.memory_space<vmem>> -> memref<1x128xi32, #tpu.memory_space<vmem>>
      %dma_start3A_70 = tpu.memref_squeeze %dma_start3A_69 : memref<1x128xi32, #tpu.memory_space<vmem>> -> memref<128xi32, #tpu.memory_space<vmem>>
      %dma_start3A_71 = tpu.memref_slice %arg2[%dma_start3A, %mul3A_67] : memref<2x320000xi32, #tpu.memory_space<hbm>> -> memref<1x128xi32, #tpu.memory_space<hbm>>
      %dma_start3A_72 = tpu.memref_squeeze %dma_start3A_71 : memref<1x128xi32, #tpu.memory_space<hbm>> -> memref<128xi32, #tpu.memory_space<hbm>>
      %dma_start3A_73 = arith.constant 0 : i32
      %dma_start3A_74 = tpu.memref_slice %arg4[%while3A_62, %dma_start3A_73] : memref<79x128xi32, #tpu.memory_space<vmem>> -> memref<1x128xi32, #tpu.memory_space<vmem>>
      %dma_start3A_75 = tpu.memref_squeeze %dma_start3A_74 : memref<1x128xi32, #tpu.memory_space<vmem>> -> memref<128xi32, #tpu.memory_space<vmem>>
      %dma_start3A_76 = tpu.memref_slice %arg2[%dma_start3A, %mul3A_67] : memref<2x320000xi32, #tpu.memory_space<hbm>> -> memref<1x128xi32, #tpu.memory_space<hbm>>
      %dma_start3A_77 = tpu.memref_squeeze %dma_start3A_76 : memref<1x128xi32, #tpu.memory_space<hbm>> -> memref<128xi32, #tpu.memory_space<hbm>>
      tpu.enqueue_dma source(%dma_start3A_77 : memref<128xi32, #tpu.memory_space<hbm>>) target(%dma_start3A_75 : memref<128xi32, #tpu.memory_space<vmem>>) target_semaphore(%arg8 : memref<!tpu.dma_semaphore, #tpu.memory_space<semaphore_mem>>)
    }
    %scan3A = arith.constant 0 : i32
    %scan3A_14 = arith.constant 0 : i32
    %scan3A_15 = arith.constant 8 : i32
    %scan3A_16 = arith.addi %scan3A_14, %scan3A_15 : i32
    %scan3A_17 = arith.constant 1 : i32
    scf.for %scan3A_62 = %scan3A_14 to %scan3A_16 step %scan3A_17  : i32 {
      %broadcast_in_dim3A = arith.constant 1.000000e+00 : f32
      %broadcast_in_dim3A_63 = vector.broadcast %broadcast_in_dim3A : f32 to vector<16xf32>
      %mul3A_64 = arith.constant 16 : i32
      %mul3A_65 = arith.muli %scan3A_62, %mul3A_64 : i32
      %swap3A = arith.index_cast %mul3A_65 : i32 to index
      %swap3A_66 = tpu.vector_load %arg5[%swap3A] {strides = array<i32>} : memref<128xf32, #tpu.memory_space<vmem>>, vector<16xf32>,
      %swap3A_67 = vector.shape_cast %swap3A_66 : vector<16xf32> to vector<16xf32>
      %swap3A_68 = vector.shape_cast %broadcast_in_dim3A_63 : vector<16xf32> to vector<16xf32>
      tpu.vector_store %arg5[%swap3A], %swap3A_68 {strides = array<i32>} : memref<128xf32, #tpu.memory_space<vmem>>, vector<16xf32>,
    }
    %scan3A_18 = arith.constant 8 : i32
    %scan3A_19 = arith.constant 0 : i32
    %scan3A_20 = arith.constant 0 : i32
    %scan3A_21 = arith.constant 40 : i32
    %scan3A_22 = arith.addi %scan3A_20, %scan3A_21 : i32
    %scan3A_23 = arith.constant 1 : i32
    scf.for %scan3A_62 = %scan3A_20 to %scan3A_22 step %scan3A_23  : i32 {
      %broadcast_in_dim3A = arith.constant 0.000000e+00 : f32
      %broadcast_in_dim3A_63 = vector.broadcast %broadcast_in_dim3A : f32 to vector<16xf32>
      %mul3A_64 = arith.constant 16 : i32
      %mul3A_65 = arith.muli %scan3A_62, %mul3A_64 : i32
      %swap3A = arith.index_cast %mul3A_65 : i32 to index
      %swap3A_66 = tpu.vector_load %arg6[%swap3A] {strides = array<i32>} : memref<640xf32, #tpu.memory_space<vmem>>, vector<16xf32>,
      %swap3A_67 = vector.shape_cast %swap3A_66 : vector<16xf32> to vector<16xf32>
      %swap3A_68 = vector.shape_cast %broadcast_in_dim3A_63 : vector<16xf32> to vector<16xf32>
      tpu.vector_store %arg6[%swap3A], %swap3A_68 {strides = array<i32>} : memref<640xf32, #tpu.memory_space<vmem>>, vector<16xf32>,
    }
    %scan3A_24 = arith.constant 40 : i32
    %mul3A_25 = arith.constant 640 : i32
    %mul3A_26 = arith.muli %arg1, %mul3A_25 : i32
    "tpu.region"() ({
      %run_scoped3A = tpu.sem_alloc : memref<!tpu.dma_semaphore, #tpu.memory_space<semaphore_mem>>
      %dma_start3A = tpu.memref_slice %arg7[%mul3A_26] : memref<10240xf32, #tpu.memory_space<vmem_shared>> -> memref<640xf32, #tpu.memory_space<vmem_shared>>
      %dma_start3A_62 = tpu.memref_slice %arg7[%mul3A_26] : memref<10240xf32, #tpu.memory_space<vmem_shared>> -> memref<640xf32, #tpu.memory_space<vmem_shared>>
      tpu.enqueue_dma source(%arg6 : memref<640xf32, #tpu.memory_space<vmem>>) target(%dma_start3A_62 : memref<640xf32, #tpu.memory_space<vmem_shared>>) target_semaphore(%run_scoped3A : memref<!tpu.dma_semaphore, #tpu.memory_space<semaphore_mem>>)
      %dma_wait3A = tpu.memref_slice %arg7[%mul3A_26] : memref<10240xf32, #tpu.memory_space<vmem_shared>> -> memref<640xf32, #tpu.memory_space<vmem_shared>>
      %dma_wait3A_63 = tpu.memref_slice %arg7[%mul3A_26] : memref<10240xf32, #tpu.memory_space<vmem_shared>> -> memref<640xf32, #tpu.memory_space<vmem_shared>>
      tpu.wait_dma2 semaphore(%run_scoped3A : memref<!tpu.dma_semaphore, #tpu.memory_space<semaphore_mem>>) src(%arg6 : memref<640xf32, #tpu.memory_space<vmem>>) dst(%dma_wait3A_63 : memref<640xf32, #tpu.memory_space<vmem_shared>>)
      tpu.yield
    }) : () -> ()
    %while3A_27 = arith.constant 0 : i32
    %while3A_28 = arith.constant 0 : i32
    %while3A_29 = arith.subi %add3A_4, %while3A_28 : i32
    %while3A_30 = arith.addi %while3A_28, %while3A_29 : i32
    %while3A_31 = arith.constant 1 : i32
    %while3A_32 = arith.divsi %while3A_29, %while3A_31 : i32
    %while3A_33 = arith.muli %while3A_32, %while3A_31 : i32
    %while3A_34 = arith.addi %while3A_28, %while3A_33 : i32
    %while3A_35 = arith.constant 1 : i32
    scf.for %while3A_62 = %while3A_28 to %while3A_34 step %while3A_35  : i32 {
      %dma_wait3A = arith.constant 1 : i32
      %dma_wait3A_63 = arith.constant 0 : i32
      %dma_wait3A_64 = arith.constant 0 : i32
      %dma_wait3A_65 = tpu.memref_slice %arg4[%dma_wait3A_63, %dma_wait3A_64] : memref<79x128xi32, #tpu.memory_space<vmem>> -> memref<1x128xi32, #tpu.memory_space<vmem>>
      %dma_wait3A_66 = tpu.memref_squeeze %dma_wait3A_65 : memref<1x128xi32, #tpu.memory_space<vmem>> -> memref<128xi32, #tpu.memory_space<vmem>>
      %dma_wait3A_67 = arith.constant 0 : i32
      %dma_wait3A_68 = tpu.memref_slice %arg2[%dma_wait3A, %dma_wait3A_67] : memref<2x320000xi32, #tpu.memory_space<hbm>> -> memref<1x128xi32, #tpu.memory_space<hbm>>
      %dma_wait3A_69 = tpu.memref_squeeze %dma_wait3A_68 : memref<1x128xi32, #tpu.memory_space<hbm>> -> memref<128xi32, #tpu.memory_space<hbm>>
      %dma_wait3A_70 = arith.constant 0 : i32
      %dma_wait3A_71 = tpu.memref_slice %arg4[%dma_wait3A_63, %dma_wait3A_70] : memref<79x128xi32, #tpu.memory_space<vmem>> -> memref<1x128xi32, #tpu.memory_space<vmem>>
      %dma_wait3A_72 = tpu.memref_squeeze %dma_wait3A_71 : memref<1x128xi32, #tpu.memory_space<vmem>> -> memref<128xi32, #tpu.memory_space<vmem>>
      %dma_wait3A_73 = arith.constant 0 : i32
      %dma_wait3A_74 = tpu.memref_slice %arg2[%dma_wait3A, %dma_wait3A_73] : memref<2x320000xi32, #tpu.memory_space<hbm>> -> memref<1x128xi32, #tpu.memory_space<hbm>>
      %dma_wait3A_75 = tpu.memref_squeeze %dma_wait3A_74 : memref<1x128xi32, #tpu.memory_space<hbm>> -> memref<128xi32, #tpu.memory_space<hbm>>
      tpu.wait_dma2 semaphore(%arg8 : memref<!tpu.dma_semaphore, #tpu.memory_space<semaphore_mem>>) src(%dma_wait3A_75 : memref<128xi32, #tpu.memory_space<hbm>>) dst(%dma_wait3A_72 : memref<128xi32, #tpu.memory_space<vmem>>)
    }
    %while3A_36 = arith.constant 1 : i32
    scf.for %while3A_62 = %while3A_34 to %while3A_30 step %while3A_36  : i32 {
      %dma_wait3A = arith.constant 1 : i32
      %dma_wait3A_63 = arith.constant 0 : i32
      %dma_wait3A_64 = arith.constant 0 : i32
      %dma_wait3A_65 = tpu.memref_slice %arg4[%dma_wait3A_63, %dma_wait3A_64] : memref<79x128xi32, #tpu.memory_space<vmem>> -> memref<1x128xi32, #tpu.memory_space<vmem>>
      %dma_wait3A_66 = tpu.memref_squeeze %dma_wait3A_65 : memref<1x128xi32, #tpu.memory_space<vmem>> -> memref<128xi32, #tpu.memory_space<vmem>>
      %dma_wait3A_67 = arith.constant 0 : i32
      %dma_wait3A_68 = tpu.memref_slice %arg2[%dma_wait3A, %dma_wait3A_67] : memref<2x320000xi32, #tpu.memory_space<hbm>> -> memref<1x128xi32, #tpu.memory_space<hbm>>
      %dma_wait3A_69 = tpu.memref_squeeze %dma_wait3A_68 : memref<1x128xi32, #tpu.memory_space<hbm>> -> memref<128xi32, #tpu.memory_space<hbm>>
      %dma_wait3A_70 = arith.constant 0 : i32
      %dma_wait3A_71 = tpu.memref_slice %arg4[%dma_wait3A_63, %dma_wait3A_70] : memref<79x128xi32, #tpu.memory_space<vmem>> -> memref<1x128xi32, #tpu.memory_space<vmem>>
      %dma_wait3A_72 = tpu.memref_squeeze %dma_wait3A_71 : memref<1x128xi32, #tpu.memory_space<vmem>> -> memref<128xi32, #tpu.memory_space<vmem>>
      %dma_wait3A_73 = arith.constant 0 : i32
      %dma_wait3A_74 = tpu.memref_slice %arg2[%dma_wait3A, %dma_wait3A_73] : memref<2x320000xi32, #tpu.memory_space<hbm>> -> memref<1x128xi32, #tpu.memory_space<hbm>>
      %dma_wait3A_75 = tpu.memref_squeeze %dma_wait3A_74 : memref<1x128xi32, #tpu.memory_space<hbm>> -> memref<128xi32, #tpu.memory_space<hbm>>
      tpu.wait_dma2 semaphore(%arg8 : memref<!tpu.dma_semaphore, #tpu.memory_space<semaphore_mem>>) src(%dma_wait3A_75 : memref<128xi32, #tpu.memory_space<hbm>>) dst(%dma_wait3A_72 : memref<128xi32, #tpu.memory_space<vmem>>)
    }
    %barrier3A = arith.constant 0 : index
    tpu.barrier barrier_id(%barrier3A)
    %while3A_37 = arith.constant 0 : i32
    %while3A_38 = arith.constant 0 : i32
    %while3A_39 = arith.subi %add3A_4, %while3A_38 : i32
    %while3A_40 = arith.addi %while3A_38, %while3A_39 : i32
    %while3A_41 = arith.constant 1 : i32
    %while3A_42 = arith.divsi %while3A_39, %while3A_41 : i32
    %while3A_43 = arith.muli %while3A_42, %while3A_41 : i32
    %while3A_44 = arith.addi %while3A_38, %while3A_43 : i32
    %while3A_45 = arith.constant 1 : i32
    scf.for %while3A_62 = %while3A_38 to %while3A_44 step %while3A_45  : i32 {
      %dma_start3A = arith.constant 0 : i32
      %dma_start3A_63 = tpu.memref_slice %arg4[%while3A_62, %dma_start3A] : memref<79x128xi32, #tpu.memory_space<vmem>> -> memref<1x128xi32, #tpu.memory_space<vmem>>
      %dma_start3A_64 = tpu.memref_squeeze %dma_start3A_63 : memref<1x128xi32, #tpu.memory_space<vmem>> -> memref<128xi32, #tpu.memory_space<vmem>>
      %dma_start3A_65 = arith.constant 0 : i32
      %dma_start3A_66 = tpu.memref_slice %arg7[%dma_start3A_65] : memref<10240xf32, #tpu.memory_space<vmem_shared>> -> memref<10240xf32, #tpu.memory_space<vmem_shared>>
      tpu.enqueue_indirect_dma source(%arg5 : memref<128xf32, #tpu.memory_space<vmem>>) target(%dma_start3A_66 : memref<10240xf32, #tpu.memory_space<vmem_shared>>) offsets(%dma_start3A_64 : memref<128xi32, #tpu.memory_space<vmem>>) semaphore(%arg9 : memref<!tpu.dma_semaphore, #tpu.memory_space<semaphore_mem>>) {add = true}
    }
    %while3A_46 = arith.constant 1 : i32
    scf.for %while3A_62 = %while3A_44 to %while3A_40 step %while3A_46  : i32 {
      %dma_start3A = arith.constant 0 : i32
      %dma_start3A_63 = tpu.memref_slice %arg4[%while3A_62, %dma_start3A] : memref<79x128xi32, #tpu.memory_space<vmem>> -> memref<1x128xi32, #tpu.memory_space<vmem>>
      %dma_start3A_64 = tpu.memref_squeeze %dma_start3A_63 : memref<1x128xi32, #tpu.memory_space<vmem>> -> memref<128xi32, #tpu.memory_space<vmem>>
      %dma_start3A_65 = arith.constant 0 : i32
      %dma_start3A_66 = tpu.memref_slice %arg7[%dma_start3A_65] : memref<10240xf32, #tpu.memory_space<vmem_shared>> -> memref<10240xf32, #tpu.memory_space<vmem_shared>>
      tpu.enqueue_indirect_dma source(%arg5 : memref<128xf32, #tpu.memory_space<vmem>>) target(%dma_start3A_66 : memref<10240xf32, #tpu.memory_space<vmem_shared>>) offsets(%dma_start3A_64 : memref<128xi32, #tpu.memory_space<vmem>>) semaphore(%arg9 : memref<!tpu.dma_semaphore, #tpu.memory_space<semaphore_mem>>) {add = true}
    }
    %while3A_47 = arith.constant 0 : i32
    %while3A_48 = arith.constant 0 : i32
    %while3A_49 = arith.subi %add3A_4, %while3A_48 : i32
    %while3A_50 = arith.addi %while3A_48, %while3A_49 : i32
    %while3A_51 = arith.constant 1 : i32
    %while3A_52 = arith.divsi %while3A_49, %while3A_51 : i32
    %while3A_53 = arith.muli %while3A_52, %while3A_51 : i32
    %while3A_54 = arith.addi %while3A_48, %while3A_53 : i32
    %while3A_55 = arith.constant 1 : i32
    scf.for %while3A_62 = %while3A_48 to %while3A_54 step %while3A_55  : i32 {
      %dma_wait3A = arith.constant 0 : i32
      %dma_wait3A_63 = arith.constant 0 : i32
      %dma_wait3A_64 = tpu.memref_slice %arg4[%dma_wait3A, %dma_wait3A_63] : memref<79x128xi32, #tpu.memory_space<vmem>> -> memref<1x128xi32, #tpu.memory_space<vmem>>
      %dma_wait3A_65 = tpu.memref_squeeze %dma_wait3A_64 : memref<1x128xi32, #tpu.memory_space<vmem>> -> memref<128xi32, #tpu.memory_space<vmem>>
      %dma_wait3A_66 = arith.constant 0 : i32
      %dma_wait3A_67 = tpu.memref_slice %arg7[%dma_wait3A_66] : memref<10240xf32, #tpu.memory_space<vmem_shared>> -> memref<10240xf32, #tpu.memory_space<vmem_shared>>
      tpu.wait_indirect_dma semaphore(%arg9 : memref<!tpu.dma_semaphore, #tpu.memory_space<semaphore_mem>>) src(%arg5 : memref<128xf32, #tpu.memory_space<vmem>>) dst(%dma_wait3A_67 : memref<10240xf32, #tpu.memory_space<vmem_shared>>)
    }
    %while3A_56 = arith.constant 1 : i32
    scf.for %while3A_62 = %while3A_54 to %while3A_50 step %while3A_56  : i32 {
      %dma_wait3A = arith.constant 0 : i32
      %dma_wait3A_63 = arith.constant 0 : i32
      %dma_wait3A_64 = tpu.memref_slice %arg4[%dma_wait3A, %dma_wait3A_63] : memref<79x128xi32, #tpu.memory_space<vmem>> -> memref<1x128xi32, #tpu.memory_space<vmem>>
      %dma_wait3A_65 = tpu.memref_squeeze %dma_wait3A_64 : memref<1x128xi32, #tpu.memory_space<vmem>> -> memref<128xi32, #tpu.memory_space<vmem>>
      %dma_wait3A_66 = arith.constant 0 : i32
      %dma_wait3A_67 = tpu.memref_slice %arg7[%dma_wait3A_66] : memref<10240xf32, #tpu.memory_space<vmem_shared>> -> memref<10240xf32, #tpu.memory_space<vmem_shared>>
      tpu.wait_indirect_dma semaphore(%arg9 : memref<!tpu.dma_semaphore, #tpu.memory_space<semaphore_mem>>) src(%arg5 : memref<128xf32, #tpu.memory_space<vmem>>) dst(%dma_wait3A_67 : memref<10240xf32, #tpu.memory_space<vmem_shared>>)
    }
    %barrier3A_57 = arith.constant 0 : index
    tpu.barrier barrier_id(%barrier3A_57)
    %mul3A_58 = arith.constant 640 : i32
    %mul3A_59 = arith.muli %arg1, %mul3A_58 : i32
    %mul3A_60 = arith.constant 640 : i32
    %mul3A_61 = arith.muli %arg1, %mul3A_60 : i32
    "tpu.region"() ({
      %run_scoped3A = tpu.sem_alloc : memref<!tpu.dma_semaphore, #tpu.memory_space<semaphore_mem>>
      %dma_start3A = tpu.memref_slice %arg3[%arg0, %mul3A_61] : memref<2x10240xf32, #tpu.memory_space<hbm>> -> memref<1x640xf32, #tpu.memory_space<hbm>>
      %dma_start3A_62 = tpu.memref_squeeze %dma_start3A : memref<1x640xf32, #tpu.memory_space<hbm>> -> memref<640xf32, #tpu.memory_space<hbm>>
      %dma_start3A_63 = tpu.memref_slice %arg7[%mul3A_59] : memref<10240xf32, #tpu.memory_space<vmem_shared>> -> memref<640xf32, #tpu.memory_space<vmem_shared>>
      tpu.enqueue_dma source(%dma_start3A_63 : memref<640xf32, #tpu.memory_space<vmem_shared>>) target(%dma_start3A_62 : memref<640xf32, #tpu.memory_space<hbm>>) target_semaphore(%run_scoped3A : memref<!tpu.dma_semaphore, #tpu.memory_space<semaphore_mem>>)
      %dma_wait3A = tpu.memref_slice %arg3[%arg0, %mul3A_61] : memref<2x10240xf32, #tpu.memory_space<hbm>> -> memref<1x640xf32, #tpu.memory_space<hbm>>
      %dma_wait3A_64 = tpu.memref_squeeze %dma_wait3A : memref<1x640xf32, #tpu.memory_space<hbm>> -> memref<640xf32, #tpu.memory_space<hbm>>
      %dma_wait3A_65 = tpu.memref_slice %arg7[%mul3A_59] : memref<10240xf32, #tpu.memory_space<vmem_shared>> -> memref<640xf32, #tpu.memory_space<vmem_shared>>
      tpu.wait_dma2 semaphore(%run_scoped3A : memref<!tpu.dma_semaphore, #tpu.memory_space<semaphore_mem>>) src(%dma_wait3A_65 : memref<640xf32, #tpu.memory_space<vmem_shared>>) dst(%dma_wait3A_64 : memref<640xf32, #tpu.memory_space<hbm>>)
      tpu.yield
    }) : () -> ()
    return
  }
}

module attributes {stable_mosaic.version = 14 : i64} {
  func.func @_matmul_body(%arg0: i32, %arg1: memref<2048x128xf32, #tpu.memory_space<vmem>>, %arg2: memref<384x128xf32, #tpu.memory_space<vmem>>, %arg3: memref<64x384xf32, #tpu.memory_space<vmem>>, %arg4: memref<64x2048xf32, #tpu.memory_space<vmem>>) attributes {dimension_semantics = [#tpu.dimension_semantics<arbitrary>], iteration_bounds = array<i64: 5>, scalar_prefetch = 0 : i64, scratch_operands = 0 : i64, tpu.core_type = #tpu.core_type<tc>, window_params = [{transform_indices = @transform_0, window_bounds = array<i64: 2048, 128>}, {pipeline_mode = #tpu.pipeline_mode<synchronous>, transform_indices = @transform_1, window_bounds = array<i64: 384, 128>}, {pipeline_mode = #tpu.pipeline_mode<synchronous>, transform_indices = @transform_2, window_bounds = array<i64: 64, 384>}, {transform_indices = @transform_3, window_bounds = array<i64: 64, 2048>}]} {
    %get3A = arith.constant 0 : index
    %get3A_0 = arith.constant 0 : index
    %get3A_1 = vector.load %arg1[%get3A, %get3A_0] : memref<2048x128xf32, #tpu.memory_space<vmem>>, vector<2048x128xf32>
    %get3A_2 = arith.constant 0 : index
    %get3A_3 = arith.constant 0 : index
    %get3A_4 = vector.load %arg2[%get3A_2, %get3A_3] : memref<384x128xf32, #tpu.memory_space<vmem>>, vector<384x128xf32>
    %dot_general3A = arith.constant dense<0.000000e+00> : vector<2048x384xf32>
    %dot_general3A_5 = tpu.matmul %get3A_1, %get3A_4, %dot_general3A {dimension_numbers = #tpu.dot_dimension_numbers<[1], [1], [0], [0], [0, 0, 1, 0], [], []>, transpose_lhs_hint = false} : vector<2048x128xf32>, vector<384x128xf32>, vector<2048x384xf32> -> vector<2048x384xf32>
    %max3A = arith.constant 0.000000e+00 : f32
    %max3A_6 = vector.broadcast %max3A : f32 to vector<2048x384xf32>
    %max3A_7 = arith.maximumf %dot_general3A_5, %max3A_6 : vector<2048x384xf32>
    %get3A_8 = arith.constant 0 : index
    %get3A_9 = arith.constant 0 : index
    %get3A_10 = vector.load %arg3[%get3A_8, %get3A_9] : memref<64x384xf32, #tpu.memory_space<vmem>>, vector<64x384xf32>
    %dot_general3A_11 = arith.constant dense<0.000000e+00> : vector<64x2048xf32>
    %dot_general3A_12 = tpu.matmul %get3A_10, %max3A_7, %dot_general3A_11 {dimension_numbers = #tpu.dot_dimension_numbers<[1], [1], [0], [0], [0, 0, 1, 0], [], []>, transpose_lhs_hint = false} : vector<64x384xf32>, vector<2048x384xf32>, vector<64x2048xf32> -> vector<64x2048xf32>
    %swap3A = arith.constant 0 : index
    %swap3A_13 = arith.constant 0 : index
    %swap3A_14 = vector.load %arg4[%swap3A, %swap3A_13] : memref<64x2048xf32, #tpu.memory_space<vmem>>, vector<64x2048xf32>
    tpu.vector_store %arg4[%swap3A, %swap3A_13], %dot_general3A_12 {strides = array<i32>} : memref<64x2048xf32, #tpu.memory_space<vmem>>, vector<64x2048xf32>,
    return
  }
  func.func @transform_0(%arg0: i32) -> (i32, i32) {
    %c0_i32 = arith.constant 0 : i32
    %c0_i32_0 = arith.constant 0 : i32
    return %arg0, %c0_i32 : i32, i32
  }
  func.func @transform_1(%arg0: i32) -> (i32, i32) {
    %c0_i32 = arith.constant 0 : i32
    %c0_i32_0 = arith.constant 0 : i32
    %c0_i32_1 = arith.constant 0 : i32
    return %c0_i32, %c0_i32_0 : i32, i32
  }
  func.func @transform_2(%arg0: i32) -> (i32, i32) {
    %c0_i32 = arith.constant 0 : i32
    %c0_i32_0 = arith.constant 0 : i32
    %c0_i32_1 = arith.constant 0 : i32
    return %c0_i32, %c0_i32_0 : i32, i32
  }
  func.func @transform_3(%arg0: i32) -> (i32, i32) {
    %c0_i32 = arith.constant 0 : i32
    %c0_i32_0 = arith.constant 0 : i32
    return %c0_i32, %arg0 : i32, i32
  }
}

module attributes {stable_mosaic.version = 14 : i64} {
  func.func @_mask_body(%arg0: memref<64x10000xf32, #tpu.memory_space<vmem>>, %arg1: memref<2x10240xf32, #tpu.memory_space<vmem>>, %arg2: memref<64x10000xf32, #tpu.memory_space<vmem>>) attributes {dimension_semantics = [], scalar_prefetch = 0 : i64, scratch_operands = 0 : i64, tpu.core_type = #tpu.core_type<tc>} {
    %get3A = arith.constant 0 : index
    %get3A_0 = arith.constant 0 : index
    %get3A_1 = vector.load %arg1[%get3A, %get3A_0] : memref<2x10240xf32, #tpu.memory_space<vmem>>, vector<2x10240xf32>
    %slice3A = vector.extract_strided_slice %get3A_1 {offsets = [0, 0], sizes = [1, 10000], strides = [1, 1]} : vector<2x10240xf32> to vector<1x10000xf32>
    %slice3A_2 = vector.extract_strided_slice %get3A_1 {offsets = [1, 0], sizes = [1, 10000], strides = [1, 1]} : vector<2x10240xf32> to vector<1x10000xf32>
    %add3A = arith.addf %slice3A, %slice3A_2 : vector<1x10000xf32>
    %gt3A = arith.constant 0.000000e+00 : f32
    %gt3A_3 = vector.broadcast %gt3A : f32 to vector<1x10000xf32>
    %gt3A_4 = arith.cmpf ogt, %add3A, %gt3A_3 : vector<1x10000xf32>
    %convert_element_type3A = arith.extui %gt3A_4 : vector<1x10000xi1> to vector<1x10000xi32>
    %convert_element_type3A_5 = arith.sitofp %convert_element_type3A : vector<1x10000xi32> to vector<1x10000xf32>
    %get3A_6 = arith.constant 0 : index
    %get3A_7 = arith.constant 0 : index
    %get3A_8 = vector.load %arg0[%get3A_6, %get3A_7] : memref<64x10000xf32, #tpu.memory_space<vmem>>, vector<64x10000xf32>
    %mul3A = vector.broadcast %convert_element_type3A_5 : vector<1x10000xf32> to vector<64x10000xf32>
    %mul3A_9 = arith.mulf %get3A_8, %mul3A : vector<64x10000xf32>
    %swap3A = arith.constant 0 : index
    %swap3A_10 = arith.constant 0 : index
    %swap3A_11 = vector.load %arg2[%swap3A, %swap3A_10] : memref<64x10000xf32, #tpu.memory_space<vmem>>, vector<64x10000xf32>
    tpu.vector_store %arg2[%swap3A, %swap3A_10], %mul3A_9 {strides = array<i32>} : memref<64x10000xf32, #tpu.memory_space<vmem>>, vector<64x10000xf32>,
    return
  }
}

</mosaic_0001>

<sc_bundles>
// kernel: kernel.5.cloned.1.call-start
scs
__scs_entry_jumppad:
0x0: {  	(pc) =	sbr.rel $0x88, $3  }
0x1: {  	(tag) =	ssettag $0x0;
	lr =	simm.s32 $0x1  }
0x2: {  	[smem:$0x3F9D] =	sst lr;
	_ =	strace $0xD0000000  }
0x3: {  	_ = 	snop  }
0x4: {  	_ = 	snop  }
0x5: {  	_ = 	snop  }
0x6: {  	_ = 	snop  }
0x7: {  	_ = 	snop  }
__scs_overlays_trampoline_lowered:
0x8: {  	[smem:$0x3FAC] =	sst s0  }
0x9: {  	[smem:$0x3FAD] =	sst s1  }
0xa: {  	[smem:$0x3FAE] =	sst s2  }
0xb: {  	[smem:$0x3FAF] =	sst s3  }
0xc: {  	[smem:$0x3FB0] =	sst s4  }
0xd: {  	[smem:$0x3FB1] =	sst s5  }
0xe: {  	[smem:$0x3FB2] =	sst s6  }
0xf: {  	[smem:$0x3FB3] =	sst s7  }
0x10: {  	[smem:$0x3FB4] =	sst s8  }
0x11: {  	[smem:$0x3FB5] =	sst s9;
	s0 =	simm.s32 @!p0 $0x0  }
0x12: {  	s1 =	sld [smem:$0x3F9B];
	s0 =	simm.s32 @p0 $0x1  }
0x13: {  	[smem:$0x3FB6] =	sst s0;
	s0 =	simm.s32 @!p1 $0x0  }
0x14: {  	s2 =	sld [smem:$0x3F9A];
	s0 =	simm.s32 @p1 $0x1  }
0x15: {  	[smem:$0x3FB7] =	sst s0;
	s0 =	simm.s32 @!p2 $0x0  }
0x16: {  	s3 =	sld [smem:$0x3FDB];
	s0 =	simm.s32 @p2 $0x1  }
0x17: {  	s4 =	simm.s32 $0x1BF5;
	[smem:$0x3FB9] =	sst s0  }
0x18: {  	s0 =	sld [smem:$0x3F9C];
	_ =	swait.ge [sflag:s4], $0x0  }
0x19: {  	s7 =	sld [smem:$0x3F9D]  }
0x1a: {  	s8 =	sadd.s32 $0xFFFFE003, lr  }
0x1b: {  	s9 =	sadd.s32 $0xFFFFFEF7, lr;
	s5 =	simm.s32 $0xFFFFFFFF;
	p2 =	slt.u32 s8, $0xFFFFF086  }
0x1c: {  	p1 =	slt.u32 s9, $0xF7A;
	s5 =	simm.s32 @!p2 $0x0  }
0x1d: {  	s5 =	simm.s32 @p1 $0x1;
	p0 =	seq.s32 s7, s2  }
0x1e: {  	s7 =	smul.u32 @!p0 $0xF7A, s2;
	p2 =	seq.s32 @!p0 s5, $0x0  }
0x1f: {  	s9 =	smul.u32 $0xF7A, s1;
	s8 =	simm.s32 @!p0 $0x1BF5;
	p2 =	por !p2, p0  }
0x20: {  	[sflag:s8] =	ssyncset.s32 @!p0 $0xFFFFF086;
	s6 =	sadd.s32 @!p0 s3, s7;
	s7 =	simm.s32 @!p0 $0x108  }
0x21: {  	s3 =	sadd.s32 s3, s9;
	s6 =	sadd.s32 @!p0 $0x88, s6;
	s7 =	simm.s32 @p2 $0x1082  }
0x22: {  	[simem:s7], [sflag:s8] =	dma.local @!p0 [hbm:s6], $0xF7A  }
0x23: {  	s9 =	sor.u32 $0xD0000000, s2;
	s6 =	simm.s32 $0x108;
	_ =	swait.ge @!p0 [sflag:s8], $0x0  }
0x24: {  	s3 =	sadd.s32 $0x88, s3;
	s6 =	simm.s32 @!p1 $0x1082;
	[sflag:s4] =	ssyncset.s32 $0xFFFFF086  }
0x25: {  	[simem:s6], [sflag:s4] =	dma.local [hbm:s3], $0xF7A  }
0x26: {  	[smem:$0x3F9D] =	sst s1;
	(tag) =	ssettag s2;
	_ =	strace s9  }
0x27: {  	s1 =	sld [smem:$0x3FAD]  }
0x28: {  	s2 =	sld [smem:$0x3FAE]  }
0x29: {  	s4 =	sld [smem:$0x3FB0]  }
0x2a: {  	p0 =	seq.s32 s5, $0x0;
	s5 =	sld [smem:$0x3FB1]  }
0x2b: {  	s6 =	sld [smem:$0x3FB2]  }
0x2c: {  	s7 =	sld [smem:$0x3FB3]  }
0x2d: {  	s3 =	simm.s32 $0x108;
	s8 =	sld [smem:$0x3FB4]  }
0x2e: {  	s3 =	simm.s32 @!p0 $0x1082;
	s9 =	sld [smem:$0x3FB5]  }
0x2f: {  	lr =	sadd.s32 s0, s3;
	s0 =	sld [smem:$0x3FAC]  }
0x30: {  	s3 =	sld [smem:$0x3FAF]  }
0x31: {  	[smem:$0x3FB8] =	sst s10  }
0x32: {  	s10 =	sld [smem:$0x3FB6];
	_ =	sdelay $0x3  }
0x33: {  	p0 =	seq.s32 s10, $0x1;
	s10 =	sld [smem:$0x3FB8];
	_ =	sdelay $0x3  }
0x34: {  	[smem:$0x3FB8] =	sst s10  }
0x35: {  	s10 =	sld [smem:$0x3FB7];
	_ =	sdelay $0x3  }
0x36: {  	p1 =	seq.s32 s10, $0x1;
	s10 =	sld [smem:$0x3FB8];
	_ =	sdelay $0x3  }
0x37: {  	[smem:$0x3FB8] =	sst s10  }
0x38: {  	s10 =	sld [smem:$0x3FB9]  }
0x39: {  	_ = 	snop;
	(pc) =	sbr.ind lr, $3  }
0x3a: {  	_ = 	snop  }
0x3b: {  	_ = 	snop  }
0x3c: {  	p2 =	seq.s32 s10, $0x1;
	s10 =	sld [smem:$0x3FB8]  }
0x3d: {  	_ =	shalt  }
0x3e: {  	_ =	shalt  }
0x3f: {  	_ =	shalt  }
0x40: {  	_ =	shalt  }
0x41: {  	_ =	shalt  }
0x42: {  	_ =	shalt  }
0x43: {  	_ =	shalt  }
0x44: {  	_ =	shalt  }
0x45: {  	_ =	shalt  }
0x46: {  	_ =	shalt  }
0x47: {  	_ =	shalt  }
0x48: {  	_ =	shalt  }
0x49: {  	_ =	shalt  }
0x4a: {  	_ =	shalt  }
0x4b: {  	_ =	shalt  }
0x4c: {  	_ =	shalt  }
0x4d: {  	_ =	shalt  }
0x4e: {  	_ =	shalt  }
0x4f: {  	_ =	shalt  }
0x50: {  	_ =	shalt  }
0x51: {  	_ =	shalt  }
0x52: {  	_ =	shalt  }
0x53: {  	_ =	shalt  }
0x54: {  	_ =	shalt  }
0x55: {  	_ =	shalt  }
0x56: {  	_ =	shalt  }
0x57: {  	_ =	shalt  }
0x58: {  	_ =	shalt  }
0x59: {  	_ =	shalt  }
0x5a: {  	_ =	shalt  }
0x5b: {  	_ =	shalt  }
0x5c: {  	_ =	shalt  }
0x5d: {  	_ =	shalt  }
0x5e: {  	_ =	shalt  }
0x5f: {  	_ =	shalt  }
0x60: {  	_ =	shalt  }
0x61: {  	_ =	shalt  }
0x62: {  	_ =	shalt  }
0x63: {  	_ =	shalt  }
0x64: {  	_ =	shalt  }
0x65: {  	_ =	shalt  }
0x66: {  	_ =	shalt  }
0x67: {  	_ =	shalt  }
0x68: {  	_ =	shalt  }
0x69: {  	_ =	shalt  }
0x6a: {  	_ =	shalt  }
0x6b: {  	_ =	shalt  }
0x6c: {  	_ =	shalt  }
0x6d: {  	_ =	shalt  }
0x6e: {  	_ =	shalt  }
0x6f: {  	_ =	shalt  }
0x70: {  	_ =	shalt  }
0x71: {  	_ =	shalt  }
0x72: {  	_ =	shalt  }
0x73: {  	_ =	shalt  }
0x74: {  	_ =	shalt  }
0x75: {  	_ =	shalt  }
0x76: {  	_ =	shalt  }
0x77: {  	_ =	shalt  }
0x78: {  	_ =	shalt  }
0x79: {  	_ =	shalt  }
0x7a: {  	_ =	shalt  }
0x7b: {  	_ =	shalt  }
0x7c: {  	_ =	shalt  }
0x7d: {  	_ =	shalt  }
0x7e: {  	_ =	shalt  }
0x7f: {  	_ =	shalt  }
0x80: {  	_ =	shalt  }
0x81: {  	_ =	shalt  }
0x82: {  	_ =	shalt  }
0x83: {  	_ =	shalt  }
0x84: {  	_ =	shalt  }
0x85: {  	_ =	shalt  }
0x86: {  	_ =	shalt  }
0x87: {  	_ =	shalt  }
.Lfunc_end0:
.L_simem_size_0:
called_computation_lowered:
.L_overlay_start_0:
0x88: {  	s2 =	sld [smem:$0x3FD9]  }
0x89: {  	s3 =	sld [smem:$0x3FFE];
	_ =	sdelay $0x1  }
0x8a: {  	s1 =	srdreg.scid  }
0x8b: {  	s0 =	sand.u32 $0x1, s1  }
0x8c: {  	s17 =	sshll.u32 s0, $0xA;
	s2 =	sadd.s32 s3, s2  }
0x8d: {  	s2 =	sadd.s32 s2, s17  }
0x8e: {  	[smem:$0x3FC4] =	sst s2  }
0x8f: {  	_ = 	snop  }
0x90: {  	s2 =	sld [smem:$0x3FC8];
	(tm) =	ssettm $0x1  }
0x91: {  	s18 =	sld [smem:$0x3FFB];
	_ =	sdelay $0x3  }
0x92: {  	_ =	strace s18  }
0x93: {  	s3 =	sld [smem:$0x3FFC];
	_ =	sdelay $0x3  }
0x94: {  	_ =	strace s3  }
0x95: {  	s3 =	sld [smem:$0x3FFD];
	_ =	sdelay $0x3  }
0x96: {  	_ =	strace s3  }
0x97: {  	_ =	strace $0x8FFFFFFF  }
0x98: {  	s19 =	sld [smem:$0x3FDB];
	_ =	sdelay $0x1  }
0x99: {  	s4 =	simm.s32 $_scs_section_size  }
0x9a: {  	s5 =	simm.s32 $_size__tile_overlayer_lowered;
	s6 =	simm.s32 $_tile_overlayer_lowered  }
0x9b: {  	s22 =	simm.s32 $0x1BFF;
	s21 =	sshll.u32 s6, $0x1;
	s3 =	sadd.s32 s4, s19  }
0x9c: {  	s7 =	simm.s32 $0x0;
	s20 =	sshll.u32 s5, $0x1;
	s5 =	sadd.s32 s21, s3  }
0x9d: {  	[timem:s7], [sflag:s22] =	dma.local [hbm:s5], s20  }
0x9e: {  	_ =	swait.ge [sflag:s22], s20  }
0x9f: {  	s4 =	ssub.s32 $0x0, s20;
	[sflag:s22] =	ssyncset.done $0x0  }
0xa0: {  	[sflag:s22] =	ssyncadd.s32 s4;
	_ =	sdelay $0x1  }
0xa1: {  	s23 =	simm.s32 $0x1B8B  }
0xa2: {  	_ =	swait.ge [sflag:s23], $0x1  }
0xa3: {  	[sflag:s23] =	ssyncset.done $0x0  }
0xa4: {  	s25 =	simm.s32 $0x1B8E;
	s24 =	sld [smem:$0x3FFE];
	[sflag:s23] =	ssyncadd.s32 $0xFFFFFFFF  }
0xa5: {  	s26 =	simm.s32 $execute0_lowered;
	[smem:$0x3FD2] =	sst s25  }
0xa6: {  	s5 =	sshll.u32 s26, $0x1;
	_ =	strace $0x80000046;
	[dreg:$0x1] =	wrdreg $0xFFFFFFFF  }
0xa7: {  	s28 =	simm.s32 $_size_execute0_lowered;
	s3 =	sadd.s32 s3, s5;
	[dreg:$0x0] =	wrdreg $0x0  }
0xa8: {  	s5 =	sshll.u32 s28, $0x1;
	[dreg:$0x2] =	wrdreg s3  }
0xa9: {  	[dreg:$0x3] =	wrdreg s5  }
0xaa: {  	[dreg:$0x4] =	wrdreg $0xC0  }
0xab: {  	_ =	task [dreg:s7], $0x5FFFF  }
0xac: {  	[dreg:$0x1] =	wrdreg $0xFFFFFFFF  }
0xad: {  	[dreg:$0x0] =	wrdreg $0x60  }
0xae: {  	[dreg:$0x2] =	wrdreg s2  }
0xaf: {  	[dreg:$0x3] =	wrdreg s24  }
0xb0: {  	[dreg:$0x4] =	wrdreg $0x2B000  }
0xb1: {  	[dreg:$0x5] =	wrdreg $0x9  }
0xb2: {  	_ =	task.clear_ibuf [dreg:s7], $0x6FFFF;
	_ =	strace $0x90000046  }
0xb3: {  	s29 =	simm.s32 $0x9;
	_ =	strace $0x80000048  }
0xb4: {  	_ =	swait.ge [sflag:s29], $0x1  }
0xb5: {  	[sflag:s29] =	ssyncadd.s32 $0xFFFFFFFF  }
0xb6: {  	_ =	strace $0x90000048  }
0xb7: {  	_ =	sfence  }
0xb8: {  	s30 =	sld [smem:$0x0];
	_ =	sdelay $0x2  }
0xb9: {  	s31 =	sshll.u32 s1, $0xD;
	s1 =	sshrl.u32 s1, $0x2  }
0xba: {  	s3 =	sand.u32 $0x4000, s31;
	s1 =	sadd.s32 s1, s30  }
0xbb: {  	s0 =	sor.u32 s3, s0;
	s1 =	sshll.u32 s1, $0x11  }
0xbc: {  	s0 =	sor.u32 s1, s0  }
0xbd: {  	s0 =	sadd.s32 $0x8F2B, s0  }
0xbe: {  	[sflag:s0] =	ssyncadd.remote.s32 $0x1  }
0xbf: {  	_ =	sfence.sel $0xFFFF  }
0xc0: {  	[dreg:$0x0] =	wrdreg $0xFFFFFFFF;
	(pc) =	sbr.abs _section_cstart, $3  }
0xc1: {  	[dreg:$0x1] =	wrdreg $0xFFFFFFFF  }
0xc2: {  	_ =	task.clear_ibuf [dreg:s7], $0x2FFFF;
	_ =	strace $0x9FFFFFFF  }
0xc3: {  	(tm) =	ssettm $0x7FFFFFFF  }
tec
execute0_lowered:
.L_overlay_start_1:
0x0: {  	(tag) =	ssettag $0x1  }
0x1: {  	s6 =	rddreg [dreg:$0x0]  }
0x2: {  	s4 =	rddreg [dreg:$0x1]  }
0x3: {  	s2 =	rddreg [dreg:$0x2]  }
0x4: {  	s0 =	rddreg [dreg:$0x3]  }
0x5: {  	s5 =	srdreg.scid;
	s1 =	stileid.u32;
	s3 =	simm.s32 $0x0  }
0x6: {  	s12 =	simm.s32 $0x80;
	s13 =	simm.s32 $0x2800;
	s14 =	simm.s32 $0x2  }
0x7: {  	s15 =	simm.s32 $0x20;
	s16 =	simm.s32 $0x10;
	s17 =	simm.s32 $0x0  }
0x8: {  	s5 =	sand.u32 $0x1, s5;
	s7 =	smul.u32 $0x500, s1;
	[smem:$0x7FF] =	sst s3  }
0x9: {  	s10 =	smul.u32 $0xA00, s1;
	s11 =	sshll.u32 s1, $0x8;
	s8 =	sshll.u32 s5, $0x7  }
0xa: {  	_ =	strace $0x80000047;
	s26 =	ssub.s32 $0x2, s5;
	s9 =	sshll.u32 s5, $0x4  }
0xb: {  	s5 =	sshll.u32 s5, $0xC;
	s7 =	sor.u32 s8, s7;
	s28 =	sshrl.u32 s26, $0x1  }
0xc: {  	s9 =	sor.u32 s1, s9;
	s5 =	sor.u32 s11, s5;
	s29 =	sshrl.u32 s10, $0x2  }
0xd: {  	s10 =	simm.s32 $0x3;
	s11 =	simm.s32 $0x1;
	s7 =	sshrl.u32 s7, $0x3  }
0xe: {  	s8 =	ssub.s32 s26, s28;
	p0 =	slt.u32 s9, $0x4;
	s30 =	sshrl.u32 s5, $0x3  }
0xf: {  	s5 =	sadd.s32 s29, s2;
	s7 =	sadd.s32 s7, s4;
	s4 =	simm.s32 $0x4F  }
0x10: {  	s9 =	simm.s32 $0x2880;
	s31 =	sadd.s32 s30, s6;
	s4 =	simm.s32 @!p0 $0x4E  }
0x11: {  	v0 =	vimm.f32 $1.000000000e+00;
	v1 =	vimm.f32 $0.0e+00;
	s6 =	sadd.s32 $0xC00, s7;
	s7 =	smax.u32 s8, $0x1;
	s8 =	sadd.s32 $0x10, s31  }
.LBB2_1:
0x12: {  	p0 =	sne.s32 s4, $0x1  }
.Ltmp0:
0x13: {  	_ = 	snop;
	(pc) =	sbr.rel @!p0 .LBB2_3-.Ltmp0, $3  }
0x14: {  	_ =	sdelay $0x1  }
0x15: {  	[tilespmem:s3], [sflag:$0x1] =	stream.linear.gather [hbm4b:s8+s3], $0x80, $0x38;
	[tilespmem:$0x2D80] =	vst v63  }
0x16: {  	s18 =	sadd.s32 $0xFFFFFFFF, s4;
	s19 =	smov.u32 s8;
	s20 =	simm.s32 $0x0  }
.LBB2_2:
0x17: {  	p1 =	sne.s32 s18, $0x1  }
.Ltmp1:
0x18: {  	_ = 	snop;
	(pc) =	sbr.rel @p1 .LBB2_2-.Ltmp1, $4  }
0x19: {  	_ = 	snop  }
0x1a: {  	s19 =	sadd.s32 $0x400, s19;
	s20 =	sadd.s32 $0x80, s20  }
0x1b: {  	s18 =	sadd.s32 $0xFFFFFFFF, s18  }
0x1c: {  	[tilespmem:s20], [sflag:$0x1] =	stream.linear.gather [hbm4b:s19+s3], $0x80, $0x38;
	[tilespmem:$0x2D80] =	vst v63  }
.LBB2_3:
0x1d: {  	[tilespmem:$0x2800] =	vst v0  }
0x1e: {  	[tilespmem:$0x2810] =	vst v0  }
0x1f: {  	[tilespmem:$0x2820] =	vst v0  }
0x20: {  	[tilespmem:$0x2830] =	vst v0  }
0x21: {  	[tilespmem:$0x2840] =	vst v0  }
0x22: {  	[tilespmem:$0x2850] =	vst v0  }
0x23: {  	[tilespmem:$0x2860] =	vst v0  }
0x24: {  	[tilespmem:$0x2870] =	vst v0  }
0x25: {  	[tilespmem:$0x2880] =	vst v1  }
0x26: {  	[tilespmem:$0x2890] =	vst v1  }
0x27: {  	[tilespmem:$0x28A0] =	vst v1  }
0x28: {  	[tilespmem:$0x28B0] =	vst v1  }
0x29: {  	[tilespmem:$0x28C0] =	vst v1  }
0x2a: {  	[tilespmem:$0x28D0] =	vst v1  }
0x2b: {  	[tilespmem:$0x28E0] =	vst v1  }
0x2c: {  	[tilespmem:$0x28F0] =	vst v1  }
0x2d: {  	[tilespmem:$0x2900] =	vst v1  }
0x2e: {  	[tilespmem:$0x2910] =	vst v1  }
0x2f: {  	[tilespmem:$0x2920] =	vst v1  }
0x30: {  	[tilespmem:$0x2930] =	vst v1  }
0x31: {  	[tilespmem:$0x2940] =	vst v1  }
0x32: {  	[tilespmem:$0x2950] =	vst v1  }
0x33: {  	[tilespmem:$0x2960] =	vst v1  }
0x34: {  	[tilespmem:$0x2970] =	vst v1  }
0x35: {  	[tilespmem:$0x2980] =	vst v1  }
0x36: {  	[tilespmem:$0x2990] =	vst v1  }
0x37: {  	[tilespmem:$0x29A0] =	vst v1  }
0x38: {  	[tilespmem:$0x29B0] =	vst v1  }
0x39: {  	[tilespmem:$0x29C0] =	vst v1  }
0x3a: {  	[tilespmem:$0x29D0] =	vst v1  }
0x3b: {  	[tilespmem:$0x29E0] =	vst v1  }
0x3c: {  	[tilespmem:$0x29F0] =	vst v1  }
0x3d: {  	[tilespmem:$0x2A00] =	vst v1  }
0x3e: {  	[tilespmem:$0x2A10] =	vst v1  }
0x3f: {  	[tilespmem:$0x2A20] =	vst v1  }
0x40: {  	[tilespmem:$0x2A30] =	vst v1  }
0x41: {  	[tilespmem:$0x2A40] =	vst v1  }
0x42: {  	[tilespmem:$0x2A50] =	vst v1  }
0x43: {  	[tilespmem:$0x2A60] =	vst v1  }
0x44: {  	[tilespmem:$0x2A70] =	vst v1  }
0x45: {  	[tilespmem:$0x2A80] =	vst v1  }
0x46: {  	[tilespmem:$0x2A90] =	vst v1  }
0x47: {  	[tilespmem:$0x2AA0] =	vst v1  }
0x48: {  	[tilespmem:$0x2AB0] =	vst v1  }
0x49: {  	[tilespmem:$0x2AC0] =	vst v1  }
0x4a: {  	[tilespmem:$0x2AD0] =	vst v1  }
0x4b: {  	[tilespmem:$0x2AE0] =	vst v1  }
0x4c: {  	[tilespmem:$0x2AF0] =	vst v1  }
0x4d: {  	[spmem:s5] =	stream.linear.scatter [tilespmem:s9], [sflag:$0x3], $0x280, $0x38;
	[tilespmem:$0x2D80] =	vst v63  }
.Ltmp2:
0x4e: {  	_ =	swait.ge [sflag:s10], $0x280;
	(pc) =	sbr.rel @!p0 .LBB2_5-.Ltmp2, $4  }
0x4f: {  	[sflag:s10] =	ssyncset.done $0x0  }
0x50: {  	[sflag:s10] =	ssyncadd.s32 $0xFFFFFD80  }
0x51: {  	_ =	swait.ge [sflag:s11], $0x80  }
0x52: {  	s18 =	sadd.s32 $0xFFFFFFFF, s4;
	[sflag:s11] =	ssyncset.done $0x0  }
.LBB2_4:
0x53: {  	p1 =	sne.s32 s18, $0x1;
	s18 =	sadd.s32 $0xFFFFFFFF, s18;
	[sflag:s11] =	ssyncadd.s32 $0xFFFFFF80  }
.Ltmp3:
0x54: {  	(pc) =	sbr.rel @p1 .LBB2_4-.Ltmp3, $3  }
0x55: {  	_ =	sdelay $0x1  }
0x56: {  	_ =	swait.ge [sflag:s11], $0x80  }
0x57: {  	[sflag:s11] =	ssyncset.done $0x0  }
.LBB2_5:
.Ltmp4:
0x58: {  	(pc) =	sbr.rel @!p0 .LBB2_7-.Ltmp4, $4  }
0x59: {  	_ = 	snop  }
0x5a: {  	[sflag:s11] =	ssyncadd.s32 $0xFFFFFF80  }
0x5b: {  	s18 =	simm.s32 $0x0;
	s19 =	sadd.s32 $0xFFFFFFFF, s4;
	[bflag:$0x0] =	sbarrier.arrive $0xFFFF  }
0x5c: {  	[spmem:s2] =	stream.indirect.scatter.add.f32 [tilespmem:s13], [sflag:$0x2], $0x1, s18, s12, $0xb8;
	[tilespmem:$0x2D80] =	vst v63  }
.LBB2_6:
0x5d: {  	p1 =	sne.s32 s19, $0x1  }
.Ltmp5:
0x5e: {  	_ = 	snop;
	(pc) =	sbr.rel @p1 .LBB2_6-.Ltmp5, $3  }
0x5f: {  	_ = 	snop  }
0x60: {  	s19 =	sadd.s32 $0xFFFFFFFF, s19;
	s18 =	sadd.s32 $0x80, s18;
	_ =	sdelay $0x1  }
0x61: {  	[spmem:s2] =	stream.indirect.scatter.add.f32 [tilespmem:s13], [sflag:$0x2], $0x1, s18, s12, $0xb8;
	[tilespmem:$0x2D80] =	vst v63  }
.LBB2_7:
.Ltmp6:
0x62: {  	(pc) =	sbr.rel @!p0 .LBB2_9-.Ltmp6, $3  }
0x63: {  	_ =	sdelay $0x1  }
0x64: {  	_ =	swait.ge [sflag:s14], $0x80  }
0x65: {  	s18 =	sadd.s32 $0xFFFFFFFF, s4;
	[sflag:s14] =	ssyncset.done $0x0  }
.LBB2_8:
0x66: {  	p0 =	sne.s32 s18, $0x1;
	s18 =	sadd.s32 $0xFFFFFFFF, s18;
	[sflag:s14] =	ssyncadd.s32 $0xFFFFFF80  }
.Ltmp7:
0x67: {  	(pc) =	sbr.rel @p0 .LBB2_8-.Ltmp7, $3  }
0x68: {  	_ =	sdelay $0x1  }
0x69: {  	_ =	swait.ge [sflag:s14], $0x80  }
0x6a: {  	[sflag:s14] =	ssyncset.done $0x0  }
.LBB2_9:
0x6b: {  	[sflag:s14] =	ssyncadd.s32 $0xFFFFFF80;
	s17 =	sadd.s32 $0x1, s17  }
0x6c: {  	s18 =	sshll.u32 s1, $0x6;
	s19 =	sshrl.u32 s5, $0x3;
	p0 =	sne.s32 s17, s7  }
.Ltmp8:
0x6d: {  	[bflag:$0x0] =	sbarrier.arrive $0xFFFF;
	s18 =	sor.u32 $0x1C03, s18;
	(pc) =	sbr.rel @p0 .LBB2_1-.Ltmp8, $4  }
0x6e: {  	[hbm:s6@s15], [sflag:s18] =	dma.strided [spmem:s19@s16], $0x50, s11, $0x10   }
0x6f: {  	_ =	swait.ge [sflag:s10], $0x50  }
0x70: {  	[sflag:s10] =	ssyncset.done $0x0  }
0x71: {  	[sflag:s10] =	ssyncadd.s32 $0xFFFFFFB0  }
0x72: {  	_ =	sfence.sel $0x180000  }
0x73: {  	[bflag:$0x0] =	sbarrier.arrive $0xFFFF  }
0x74: {  	p0 =	sne.s32 s1, $0x0;
	_ =	strace $0x90000047  }
0x75: {  	s0 =	sadd.s32 @!p0 $0x100000, s0;
	[bflag:$0x2] =	sbarrier.arrive $0xFFFF  }
0x76: {  	[sflag:s0] =	ssyncadd.tile.s32 @!p0 $0x1;
	_ =	shalt  }
.Lfunc_end2:
_tile_overlayer_lowered:
.L_overlay_start_2:
0x77: {  	(tag) =	ssettag $0x2  }
0x78: {  	s0 =	rddreg [dreg:$0x0];
	s2 =	stileid.u32  }
0x79: {  	s1 =	rddreg [dreg:$0x1];
	p0 =	sne.s32 s2, $0x0  }
0x7a: {  	s3 =	rddreg [dreg:$0x2];
	[bflag:$0x3] =	sbarrier.arrive $0xFFFF;
	s2 =	simm.s32 @!p0 $0x1C03  }
0x7b: {  	[timem:s3], [sflag:s2] =	dma.local @!p0 [hbm:s0], s1  }
0x7c: {  	s0 =	simm.s32 @!p0 $0x3  }
0x7d: {  	_ =	swait.ge @!p0 [sflag:s0], s1  }
0x7e: {  	s1 =	ssub.s32 @!p0 $0x0, s1;
	[sflag:s0] =	ssyncset.done @!p0 $0x0  }
0x7f: {  	[sflag:s0] =	ssyncadd.s32 @!p0 s1  }
0x80: {  	[bflag:$0x3] =	sbarrier.arrive $0xFFFF  }
0x81: {  	_ =	shalt  }

</sc_bundles>
